<compile_context>
chip_gen: v7x
topology: tpu7x:2x2x1
jax: 0.10.2.dev20260603
libtpu: 0.0.44.dev20260713+nightly
codegen_flags: <defaults>
</compile_context>

<pallas_src>
import functools

import jax
import jax.numpy as jnp
from jax import lax
from jax.experimental import pallas as pl
from jax.experimental.pallas import tpu as pltpu
from jax.experimental.pallas import tpu_sc as plsc

N_FRAMES = 1000
N_RAYS = 16384
L = 16
NC = 1
NS = 16
NW = NC * NS
RAYS_PER_W = N_RAYS // NW
GROUPS = RAYS_PER_W // L
TABLE_WORDS = N_FRAMES * 7


def _sc_body(table_hbm, rays_hbm, idx_hbm, mask_hbm, out_hbm,
             table_v, rays_v, idx_v, mask_v, out_v,
             sem_t, sem_i, sem_m, sem_r, sem_o):
    wid = lax.axis_index("s") * NC + lax.axis_index("c")
    rbase = wid * RAYS_PER_W

    cp_t = pltpu.make_async_copy(table_hbm, table_v, sem_t)
    cp_i = pltpu.make_async_copy(idx_hbm.at[pl.ds(rbase, RAYS_PER_W)],
                                 idx_v, sem_i)
    cp_m = pltpu.make_async_copy(mask_hbm.at[pl.ds(rbase, RAYS_PER_W)],
                                 mask_v, sem_m)
    cp_r = pltpu.make_async_copy(
        rays_hbm.at[:, pl.ds(rbase, RAYS_PER_W)], rays_v, sem_r)
    cp_t.start(); cp_i.start(); cp_m.start(); cp_r.start()
    cp_t.wait(); cp_i.wait(); cp_m.wait(); cp_r.wait()

    zero = jnp.zeros((L,), jnp.float32)
    one = jnp.ones((L,), jnp.float32)

    @plsc.parallel_loop(0, GROUPS, unroll=1)
    def body(g):
        s = g * L
        idx = idx_v[pl.ds(s, L)]
        m = mask_v[pl.ds(s, L)] == 1
        c = [plsc.load_gather(table_v, [idx + k * N_FRAMES])
             for k in range(7)]
        tx = jnp.where(m, c[0], zero)
        ty = jnp.where(m, c[1], zero)
        tz = jnp.where(m, c[2], zero)
        qx = jnp.where(m, c[3], zero)
        qy = jnp.where(m, c[4], zero)
        qz = jnp.where(m, c[5], zero)
        qw = jnp.where(m, c[6], one)

        r = [rays_v[k, pl.ds(s, L)] for k in range(6)]

        xx, yy, zz = qx * qx, qy * qy, qz * qz
        xy, xz, yz = qx * qy, qx * qz, qy * qz
        wx, wy, wz = qw * qx, qw * qy, qw * qz
        two = jnp.float32(2.0)
        r00 = 1 - two * (yy + zz); r01 = two * (xy - wz); r02 = two * (xz + wy)
        r10 = two * (xy + wz); r11 = 1 - two * (xx + zz); r12 = two * (yz - wx)
        r20 = two * (xz - wy); r21 = two * (yz + wx); r22 = 1 - two * (xx + yy)

        out_v[0, pl.ds(s, L)] = r[0] + tx
        out_v[1, pl.ds(s, L)] = r[1] + ty
        out_v[2, pl.ds(s, L)] = r[2] + tz
        out_v[3, pl.ds(s, L)] = r00 * r[3] + r01 * r[4] + r02 * r[5]
        out_v[4, pl.ds(s, L)] = r10 * r[3] + r11 * r[4] + r12 * r[5]
        out_v[5, pl.ds(s, L)] = r20 * r[3] + r21 * r[4] + r22 * r[5]

    cp_o = pltpu.make_async_copy(
        out_v, out_hbm.at[:, pl.ds(rbase, RAYS_PER_W)], sem_o)
    cp_o.start()
    cp_o.wait()


_sc_kernel = functools.partial(
    pl.kernel,
    out_type=jax.ShapeDtypeStruct((6, N_RAYS), jnp.float32),
    mesh=plsc.VectorSubcoreMesh(
        core_axis_name="c", subcore_axis_name="s", num_cores=NC,
        num_subcores=NS),
    compiler_params=pltpu.CompilerParams(
        needs_layout_passes=False, use_tc_tiling_on_sc=False),
    scratch_types=[
        pltpu.VMEM((TABLE_WORDS,), jnp.float32),
        pltpu.VMEM((6, RAYS_PER_W), jnp.float32),
        pltpu.VMEM((RAYS_PER_W,), jnp.int32),
        pltpu.VMEM((RAYS_PER_W,), jnp.int32),
        pltpu.VMEM((6, RAYS_PER_W), jnp.float32),
        pltpu.SemaphoreType.DMA,
        pltpu.SemaphoreType.DMA,
        pltpu.SemaphoreType.DMA,
        pltpu.SemaphoreType.DMA,
        pltpu.SemaphoreType.DMA,
    ],
)(_sc_body)


def kernel(correction_dict, rays, image_indices, depth_mask):
    table_t = correction_dict.astype(jnp.float32).T.reshape(-1)
    rays_t = rays.astype(jnp.float32).T
    out = _sc_kernel(table_t,
                     rays_t,
                     image_indices.reshape(-1).astype(jnp.int32),
                     depth_mask.reshape(-1).astype(jnp.int32))
    return out.T

# --- scband reference (transcript-rebuilt; emitter-appended) ---
"""Pipeline reference for scband-pose-correction-10273561772743 (READ-ONLY COPY).

The authoritative reference and input builder live on the scoring server;
editing this copy changes nothing except your own understanding.
"""

import jax, jax.numpy as jnp
import numpy as np

N_FRAMES = 1000
N_RAYS = 16384


def _identity_se3(n):
    # pypose SE3 storage: [tx, ty, tz, qx, qy, qz, qw]; identity = zeros translation + unit quaternion
    row = jnp.array([0., 0., 0., 0., 0., 0., 1.], dtype=jnp.float32)
    return jnp.tile(row[None, :], (n, 1))


def _quat_to_rotmat(q):
    # q in (x, y, z, w) order, assumed unit (matches pypose SO3.matrix())
    x, y, z, w = q[:, 0], q[:, 1], q[:, 2], q[:, 3]
    xx, yy, zz = x * x, y * y, z * z
    xy, xz, yz = x * y, x * z, y * z
    wx, wy, wz = w * x, w * y, w * z
    r00 = 1 - 2 * (yy + zz); r01 = 2 * (xy - wz); r02 = 2 * (xz + wy)
    r10 = 2 * (xy + wz); r11 = 1 - 2 * (xx + zz); r12 = 2 * (yz - wx)
    r20 = 2 * (xz - wy); r21 = 2 * (yz + wx); r22 = 1 - 2 * (xx + yy)
    return jnp.stack([r00, r01, r02, r10, r11, r12, r20, r21, r22], axis=-1).reshape(-1, 3, 3)


def setup_inputs(seed: int = 0) -> dict:
    key = jax.random.key(seed)
    k1, k2, k3 = jax.random.split(key, 3)
    image_indices = jax.random.randint(k1, (N_RAYS,), 0, N_FRAMES)
    rays = jax.random.normal(k2, (N_RAYS, 6), dtype=jnp.float32)
    depth_mask = jax.random.randint(k3, (N_RAYS, 1), 0, 2).astype(jnp.int32)
    correction_dict = _identity_se3(N_FRAMES)  # learned parameter, identity-initialized
    return {
        "correction_dict": correction_dict,
        "rays": rays,
        "image_indices": image_indices,
        "depth_mask": depth_mask,
    }


def reference(correction_dict, rays, image_indices, depth_mask):
    n = rays.shape[0]
    gathered = jnp.take(correction_dict, image_indices, axis=0)  # [N, 7] embedding lookup
    identity = _identity_se3(n)
    correction = jnp.where(depth_mask == 1, gathered, identity)  # [N, 7]
    t = correction[:, :3]
    q = correction[:, 3:]
    R = _quat_to_rotmat(q)  # [N, 3, 3]
    origins = rays[:, :3] + t
    dirs = jnp.squeeze(jnp.matmul(R, rays[:, 3:, None]), axis=-1)  # rotate ray directions
    return jnp.concatenate([origins, dirs], axis=1)

if __name__ == "__main__":
    import jax
    _d = setup_inputs()
    print(jax.jit(kernel)(*tuple(_d.values())))

</pallas_src>

<mosaic_0001>
#map = affine_map<(d0, d1) -> (0)>
#map1 = affine_map<(d0, d1) -> (0, 0)>
module attributes {stable_mosaic.version = 14 : i64} {
  func.func @_sc_body(%arg0: i32, %arg1: i32, %arg2: memref<7000xf32, #tpu.memory_space<hbm>>, %arg3: memref<6x16384xf32, #tpu.memory_space<hbm>>, %arg4: memref<16384xi32, #tpu.memory_space<hbm>>, %arg5: memref<16384xi32, #tpu.memory_space<hbm>>, %arg6: memref<6x16384xf32, #tpu.memory_space<hbm>>, %arg7: memref<7000xf32, #tpu.memory_space<vmem>>, %arg8: memref<6x1024xf32, #tpu.memory_space<vmem>>, %arg9: memref<1024xi32, #tpu.memory_space<vmem>>, %arg10: memref<1024xi32, #tpu.memory_space<vmem>>, %arg11: memref<6x1024xf32, #tpu.memory_space<vmem>>, %arg12: memref<!tpu.dma_semaphore, #tpu.memory_space<semaphore_mem>>, %arg13: memref<!tpu.dma_semaphore, #tpu.memory_space<semaphore_mem>>, %arg14: memref<!tpu.dma_semaphore, #tpu.memory_space<semaphore_mem>>, %arg15: memref<!tpu.dma_semaphore, #tpu.memory_space<semaphore_mem>>, %arg16: memref<!tpu.dma_semaphore, #tpu.memory_space<semaphore_mem>>) attributes {dimension_semantics = [#tpu.dimension_semantics<core_parallel>, #tpu.dimension_semantics<subcore_parallel>], iteration_bounds = array<i64: 1, 16>, scalar_prefetch = 0 : i64, scratch_operands = 10 : i64, tpu.core_type = #tpu.core_type<sc_vector_subcore>, window_params = [{transform_indices = #map}, {transform_indices = #map1}, {transform_indices = #map}, {transform_indices = #map}, {transform_indices = #map1}]} {
    %mul3A = arith.constant 1 : i32
    %mul3A_0 = arith.muli %arg1, %mul3A : i32
    %add3A = arith.addi %mul3A_0, %arg0 : i32
    %mul3A_1 = arith.constant 1024 : i32
    %mul3A_2 = arith.muli %add3A, %mul3A_1 : i32
    tpu.enqueue_dma source(%arg2 : memref<7000xf32, #tpu.memory_space<hbm>>) target(%arg7 : memref<7000xf32, #tpu.memory_space<vmem>>) target_semaphore(%arg12 : memref<!tpu.dma_semaphore, #tpu.memory_space<semaphore_mem>>)
    %dma_start3A = tpu.memref_slice %arg4[%mul3A_2] : memref<16384xi32, #tpu.memory_space<hbm>> -> memref<1024xi32, #tpu.memory_space<hbm>>
    %dma_start3A_3 = tpu.memref_slice %arg4[%mul3A_2] : memref<16384xi32, #tpu.memory_space<hbm>> -> memref<1024xi32, #tpu.memory_space<hbm>>
    tpu.enqueue_dma source(%dma_start3A_3 : memref<1024xi32, #tpu.memory_space<hbm>>) target(%arg9 : memref<1024xi32, #tpu.memory_space<vmem>>) target_semaphore(%arg13 : memref<!tpu.dma_semaphore, #tpu.memory_space<semaphore_mem>>)
    %dma_start3A_4 = tpu.memref_slice %arg5[%mul3A_2] : memref<16384xi32, #tpu.memory_space<hbm>> -> memref<1024xi32, #tpu.memory_space<hbm>>
    %dma_start3A_5 = tpu.memref_slice %arg5[%mul3A_2] : memref<16384xi32, #tpu.memory_space<hbm>> -> memref<1024xi32, #tpu.memory_space<hbm>>
    tpu.enqueue_dma source(%dma_start3A_5 : memref<1024xi32, #tpu.memory_space<hbm>>) target(%arg10 : memref<1024xi32, #tpu.memory_space<vmem>>) target_semaphore(%arg14 : memref<!tpu.dma_semaphore, #tpu.memory_space<semaphore_mem>>)
    %dma_start3A_6 = arith.constant 0 : i32
    %dma_start3A_7 = tpu.memref_slice %arg3[%dma_start3A_6, %mul3A_2] : memref<6x16384xf32, #tpu.memory_space<hbm>> -> memref<6x1024xf32, #tpu.memory_space<hbm>>
    %dma_start3A_8 = arith.constant 0 : i32
    %dma_start3A_9 = tpu.memref_slice %arg3[%dma_start3A_8, %mul3A_2] : memref<6x16384xf32, #tpu.memory_space<hbm>> -> memref<6x1024xf32, #tpu.memory_space<hbm>>
    tpu.enqueue_dma source(%dma_start3A_9 : memref<6x1024xf32, #tpu.memory_space<hbm>>) target(%arg8 : memref<6x1024xf32, #tpu.memory_space<vmem>>) target_semaphore(%arg15 : memref<!tpu.dma_semaphore, #tpu.memory_space<semaphore_mem>>)
    tpu.wait_dma2 semaphore(%arg12 : memref<!tpu.dma_semaphore, #tpu.memory_space<semaphore_mem>>) src(%arg2 : memref<7000xf32, #tpu.memory_space<hbm>>) dst(%arg7 : memref<7000xf32, #tpu.memory_space<vmem>>)
    %dma_wait3A = tpu.memref_slice %arg4[%mul3A_2] : memref<16384xi32, #tpu.memory_space<hbm>> -> memref<1024xi32, #tpu.memory_space<hbm>>
    %dma_wait3A_10 = tpu.memref_slice %arg4[%mul3A_2] : memref<16384xi32, #tpu.memory_space<hbm>> -> memref<1024xi32, #tpu.memory_space<hbm>>
    tpu.wait_dma2 semaphore(%arg13 : memref<!tpu.dma_semaphore, #tpu.memory_space<semaphore_mem>>) src(%dma_wait3A_10 : memref<1024xi32, #tpu.memory_space<hbm>>) dst(%arg9 : memref<1024xi32, #tpu.memory_space<vmem>>)
    %dma_wait3A_11 = tpu.memref_slice %arg5[%mul3A_2] : memref<16384xi32, #tpu.memory_space<hbm>> -> memref<1024xi32, #tpu.memory_space<hbm>>
    %dma_wait3A_12 = tpu.memref_slice %arg5[%mul3A_2] : memref<16384xi32, #tpu.memory_space<hbm>> -> memref<1024xi32, #tpu.memory_space<hbm>>
    tpu.wait_dma2 semaphore(%arg14 : memref<!tpu.dma_semaphore, #tpu.memory_space<semaphore_mem>>) src(%dma_wait3A_12 : memref<1024xi32, #tpu.memory_space<hbm>>) dst(%arg10 : memref<1024xi32, #tpu.memory_space<vmem>>)
    %dma_wait3A_13 = arith.constant 0 : i32
    %dma_wait3A_14 = tpu.memref_slice %arg3[%dma_wait3A_13, %mul3A_2] : memref<6x16384xf32, #tpu.memory_space<hbm>> -> memref<6x1024xf32, #tpu.memory_space<hbm>>
    %dma_wait3A_15 = arith.constant 0 : i32
    %dma_wait3A_16 = tpu.memref_slice %arg3[%dma_wait3A_15, %mul3A_2] : memref<6x16384xf32, #tpu.memory_space<hbm>> -> memref<6x1024xf32, #tpu.memory_space<hbm>>
    tpu.wait_dma2 semaphore(%arg15 : memref<!tpu.dma_semaphore, #tpu.memory_space<semaphore_mem>>) src(%dma_wait3A_16 : memref<6x1024xf32, #tpu.memory_space<hbm>>) dst(%arg8 : memref<6x1024xf32, #tpu.memory_space<vmem>>)
    %broadcast_in_dim3A = arith.constant 0.000000e+00 : f32
    %broadcast_in_dim3A_17 = vector.broadcast %broadcast_in_dim3A : f32 to vector<16xf32>
    %broadcast_in_dim3A_18 = arith.constant 1.000000e+00 : f32
    %broadcast_in_dim3A_19 = vector.broadcast %broadcast_in_dim3A_18 : f32 to vector<16xf32>
    %parallel_loop3A = arith.constant 0 : i32
    %parallel_loop3A_20 = arith.constant 64 : i32
    %parallel_loop3A_21 = arith.constant 1 : i32
    scf.for %parallel_loop3A_30 = %parallel_loop3A to %parallel_loop3A_20 step %parallel_loop3A_21  : i32 {
      %parallel_loop3A_31 = arith.constant 16 : i32
      %parallel_loop3A_32 = arith.muli %parallel_loop3A_30, %parallel_loop3A_31 : i32
      %parallel_loop3A_33 = arith.index_cast %parallel_loop3A_32 : i32 to index
      %parallel_loop3A_34 = tpu.vector_load %arg9[%parallel_loop3A_33] {strides = array<i32>} : memref<1024xi32, #tpu.memory_space<vmem>>, vector<16xi32>,
      %parallel_loop3A_35 = arith.index_cast %parallel_loop3A_32 : i32 to index
      %parallel_loop3A_36 = tpu.vector_load %arg10[%parallel_loop3A_35] {strides = array<i32>} : memref<1024xi32, #tpu.memory_space<vmem>>, vector<16xi32>,
      %parallel_loop3A_37 = arith.constant 1 : i32
      %parallel_loop3A_38 = vector.broadcast %parallel_loop3A_37 : i32 to vector<16xi32>
      %parallel_loop3A_39 = arith.cmpi eq, %parallel_loop3A_36, %parallel_loop3A_38 : vector<16xi32>
      %parallel_loop3A_40 = arith.constant 0 : i32
      %parallel_loop3A_41 = vector.broadcast %parallel_loop3A_40 : i32 to vector<16xi32>
      %parallel_loop3A_42 = arith.addi %parallel_loop3A_34, %parallel_loop3A_41 : vector<16xi32>
      %parallel_loop3A_43 = tpu.vector_load_idx %arg7[%parallel_loop3A_42] : memref<7000xf32, #tpu.memory_space<vmem>>[vector<16xi32>], vector<16xf32>,
      %parallel_loop3A_44 = arith.constant 1000 : i32
      %parallel_loop3A_45 = vector.broadcast %parallel_loop3A_44 : i32 to vector<16xi32>
      %parallel_loop3A_46 = arith.addi %parallel_loop3A_34, %parallel_loop3A_45 : vector<16xi32>
      %parallel_loop3A_47 = tpu.vector_load_idx %arg7[%parallel_loop3A_46] : memref<7000xf32, #tpu.memory_space<vmem>>[vector<16xi32>], vector<16xf32>,
      %parallel_loop3A_48 = arith.constant 2000 : i32
      %parallel_loop3A_49 = vector.broadcast %parallel_loop3A_48 : i32 to vector<16xi32>
      %parallel_loop3A_50 = arith.addi %parallel_loop3A_34, %parallel_loop3A_49 : vector<16xi32>
      %parallel_loop3A_51 = tpu.vector_load_idx %arg7[%parallel_loop3A_50] : memref<7000xf32, #tpu.memory_space<vmem>>[vector<16xi32>], vector<16xf32>,
      %parallel_loop3A_52 = arith.constant 3000 : i32
      %parallel_loop3A_53 = vector.broadcast %parallel_loop3A_52 : i32 to vector<16xi32>
      %parallel_loop3A_54 = arith.addi %parallel_loop3A_34, %parallel_loop3A_53 : vector<16xi32>
      %parallel_loop3A_55 = tpu.vector_load_idx %arg7[%parallel_loop3A_54] : memref<7000xf32, #tpu.memory_space<vmem>>[vector<16xi32>], vector<16xf32>,
      %parallel_loop3A_56 = arith.constant 4000 : i32
      %parallel_loop3A_57 = vector.broadcast %parallel_loop3A_56 : i32 to vector<16xi32>
      %parallel_loop3A_58 = arith.addi %parallel_loop3A_34, %parallel_loop3A_57 : vector<16xi32>
      %parallel_loop3A_59 = tpu.vector_load_idx %arg7[%parallel_loop3A_58] : memref<7000xf32, #tpu.memory_space<vmem>>[vector<16xi32>], vector<16xf32>,
      %parallel_loop3A_60 = arith.constant 5000 : i32
      %parallel_loop3A_61 = vector.broadcast %parallel_loop3A_60 : i32 to vector<16xi32>
      %parallel_loop3A_62 = arith.addi %parallel_loop3A_34, %parallel_loop3A_61 : vector<16xi32>
      %parallel_loop3A_63 = tpu.vector_load_idx %arg7[%parallel_loop3A_62] : memref<7000xf32, #tpu.memory_space<vmem>>[vector<16xi32>], vector<16xf32>,
      %parallel_loop3A_64 = arith.constant 6000 : i32
      %parallel_loop3A_65 = vector.broadcast %parallel_loop3A_64 : i32 to vector<16xi32>
      %parallel_loop3A_66 = arith.addi %parallel_loop3A_34, %parallel_loop3A_65 : vector<16xi32>
      %parallel_loop3A_67 = tpu.vector_load_idx %arg7[%parallel_loop3A_66] : memref<7000xf32, #tpu.memory_space<vmem>>[vector<16xi32>], vector<16xf32>,
      %parallel_loop3A_68 = arith.select %parallel_loop3A_39, %parallel_loop3A_43, %broadcast_in_dim3A_17 : vector<16xi1>, vector<16xf32>
      %parallel_loop3A_69 = arith.select %parallel_loop3A_39, %parallel_loop3A_47, %broadcast_in_dim3A_17 : vector<16xi1>, vector<16xf32>
      %parallel_loop3A_70 = arith.select %parallel_loop3A_39, %parallel_loop3A_51, %broadcast_in_dim3A_17 : vector<16xi1>, vector<16xf32>
      %parallel_loop3A_71 = arith.select %parallel_loop3A_39, %parallel_loop3A_55, %broadcast_in_dim3A_17 : vector<16xi1>, vector<16xf32>
      %parallel_loop3A_72 = arith.select %parallel_loop3A_39, %parallel_loop3A_59, %broadcast_in_dim3A_17 : vector<16xi1>, vector<16xf32>
      %parallel_loop3A_73 = arith.select %parallel_loop3A_39, %parallel_loop3A_63, %broadcast_in_dim3A_17 : vector<16xi1>, vector<16xf32>
      %parallel_loop3A_74 = arith.select %parallel_loop3A_39, %parallel_loop3A_67, %broadcast_in_dim3A_19 : vector<16xi1>, vector<16xf32>
      %parallel_loop3A_75 = arith.constant 0 : i32
      %parallel_loop3A_76 = arith.index_cast %parallel_loop3A_75 : i32 to index
      %parallel_loop3A_77 = arith.index_cast %parallel_loop3A_32 : i32 to index
      %parallel_loop3A_78 = tpu.vector_load %arg8[%parallel_loop3A_76, %parallel_loop3A_77] {strides = array<i32>} : memref<6x1024xf32, #tpu.memory_space<vmem>>, vector<16xf32>,
      %parallel_loop3A_79 = arith.constant 1 : i32
      %parallel_loop3A_80 = arith.index_cast %parallel_loop3A_79 : i32 to index
      %parallel_loop3A_81 = arith.index_cast %parallel_loop3A_32 : i32 to index
      %parallel_loop3A_82 = tpu.vector_load %arg8[%parallel_loop3A_80, %parallel_loop3A_81] {strides = array<i32>} : memref<6x1024xf32, #tpu.memory_space<vmem>>, vector<16xf32>,
      %parallel_loop3A_83 = arith.constant 2 : i32
      %parallel_loop3A_84 = arith.index_cast %parallel_loop3A_83 : i32 to index
      %parallel_loop3A_85 = arith.index_cast %parallel_loop3A_32 : i32 to index
      %parallel_loop3A_86 = tpu.vector_load %arg8[%parallel_loop3A_84, %parallel_loop3A_85] {strides = array<i32>} : memref<6x1024xf32, #tpu.memory_space<vmem>>, vector<16xf32>,
      %parallel_loop3A_87 = arith.constant 3 : i32
      %parallel_loop3A_88 = arith.index_cast %parallel_loop3A_87 : i32 to index
      %parallel_loop3A_89 = arith.index_cast %parallel_loop3A_32 : i32 to index
      %parallel_loop3A_90 = tpu.vector_load %arg8[%parallel_loop3A_88, %parallel_loop3A_89] {strides = array<i32>} : memref<6x1024xf32, #tpu.memory_space<vmem>>, vector<16xf32>,
      %parallel_loop3A_91 = arith.constant 4 : i32
      %parallel_loop3A_92 = arith.index_cast %parallel_loop3A_91 : i32 to index
      %parallel_loop3A_93 = arith.index_cast %parallel_loop3A_32 : i32 to index
      %parallel_loop3A_94 = tpu.vector_load %arg8[%parallel_loop3A_92, %parallel_loop3A_93] {strides = array<i32>} : memref<6x1024xf32, #tpu.memory_space<vmem>>, vector<16xf32>,
      %parallel_loop3A_95 = arith.constant 5 : i32
      %parallel_loop3A_96 = arith.index_cast %parallel_loop3A_95 : i32 to index
      %parallel_loop3A_97 = arith.index_cast %parallel_loop3A_32 : i32 to index
      %parallel_loop3A_98 = tpu.vector_load %arg8[%parallel_loop3A_96, %parallel_loop3A_97] {strides = array<i32>} : memref<6x1024xf32, #tpu.memory_space<vmem>>, vector<16xf32>,
      %parallel_loop3A_99 = arith.mulf %parallel_loop3A_71, %parallel_loop3A_71 : vector<16xf32>
      %parallel_loop3A_100 = arith.mulf %parallel_loop3A_72, %parallel_loop3A_72 : vector<16xf32>
      %parallel_loop3A_101 = arith.mulf %parallel_loop3A_73, %parallel_loop3A_73 : vector<16xf32>
      %parallel_loop3A_102 = arith.mulf %parallel_loop3A_71, %parallel_loop3A_72 : vector<16xf32>
      %parallel_loop3A_103 = arith.mulf %parallel_loop3A_71, %parallel_loop3A_73 : vector<16xf32>
      %parallel_loop3A_104 = arith.mulf %parallel_loop3A_72, %parallel_loop3A_73 : vector<16xf32>
      %parallel_loop3A_105 = arith.mulf %parallel_loop3A_74, %parallel_loop3A_71 : vector<16xf32>
      %parallel_loop3A_106 = arith.mulf %parallel_loop3A_74, %parallel_loop3A_72 : vector<16xf32>
      %parallel_loop3A_107 = arith.mulf %parallel_loop3A_74, %parallel_loop3A_73 : vector<16xf32>
      %parallel_loop3A_108 = arith.addf %parallel_loop3A_100, %parallel_loop3A_101 : vector<16xf32>
      %parallel_loop3A_109 = arith.constant 2.000000e+00 : f32
      %parallel_loop3A_110 = vector.broadcast %parallel_loop3A_109 : f32 to vector<16xf32>
      %parallel_loop3A_111 = arith.mulf %parallel_loop3A_110, %parallel_loop3A_108 : vector<16xf32>
      %parallel_loop3A_112 = arith.constant 1.000000e+00 : f32
      %parallel_loop3A_113 = vector.broadcast %parallel_loop3A_112 : f32 to vector<16xf32>
      %parallel_loop3A_114 = arith.subf %parallel_loop3A_113, %parallel_loop3A_111 : vector<16xf32>
      %parallel_loop3A_115 = arith.subf %parallel_loop3A_102, %parallel_loop3A_107 : vector<16xf32>
      %parallel_loop3A_116 = arith.constant 2.000000e+00 : f32
      %parallel_loop3A_117 = vector.broadcast %parallel_loop3A_116 : f32 to vector<16xf32>
      %parallel_loop3A_118 = arith.mulf %parallel_loop3A_117, %parallel_loop3A_115 : vector<16xf32>
      %parallel_loop3A_119 = arith.addf %parallel_loop3A_103, %parallel_loop3A_106 : vector<16xf32>
      %parallel_loop3A_120 = arith.constant 2.000000e+00 : f32
      %parallel_loop3A_121 = vector.broadcast %parallel_loop3A_120 : f32 to vector<16xf32>
      %parallel_loop3A_122 = arith.mulf %parallel_loop3A_121, %parallel_loop3A_119 : vector<16xf32>
      %parallel_loop3A_123 = arith.addf %parallel_loop3A_102, %parallel_loop3A_107 : vector<16xf32>
      %parallel_loop3A_124 = arith.constant 2.000000e+00 : f32
      %parallel_loop3A_125 = vector.broadcast %parallel_loop3A_124 : f32 to vector<16xf32>
      %parallel_loop3A_126 = arith.mulf %parallel_loop3A_125, %parallel_loop3A_123 : vector<16xf32>
      %parallel_loop3A_127 = arith.addf %parallel_loop3A_99, %parallel_loop3A_101 : vector<16xf32>
      %parallel_loop3A_128 = arith.constant 2.000000e+00 : f32
      %parallel_loop3A_129 = vector.broadcast %parallel_loop3A_128 : f32 to vector<16xf32>
      %parallel_loop3A_130 = arith.mulf %parallel_loop3A_129, %parallel_loop3A_127 : vector<16xf32>
      %parallel_loop3A_131 = arith.constant 1.000000e+00 : f32
      %parallel_loop3A_132 = vector.broadcast %parallel_loop3A_131 : f32 to vector<16xf32>
      %parallel_loop3A_133 = arith.subf %parallel_loop3A_132, %parallel_loop3A_130 : vector<16xf32>
      %parallel_loop3A_134 = arith.subf %parallel_loop3A_104, %parallel_loop3A_105 : vector<16xf32>
      %parallel_loop3A_135 = arith.constant 2.000000e+00 : f32
      %parallel_loop3A_136 = vector.broadcast %parallel_loop3A_135 : f32 to vector<16xf32>
      %parallel_loop3A_137 = arith.mulf %parallel_loop3A_136, %parallel_loop3A_134 : vector<16xf32>
      %parallel_loop3A_138 = arith.subf %parallel_loop3A_103, %parallel_loop3A_106 : vector<16xf32>
      %parallel_loop3A_139 = arith.constant 2.000000e+00 : f32
      %parallel_loop3A_140 = vector.broadcast %parallel_loop3A_139 : f32 to vector<16xf32>
      %parallel_loop3A_141 = arith.mulf %parallel_loop3A_140, %parallel_loop3A_138 : vector<16xf32>
      %parallel_loop3A_142 = arith.addf %parallel_loop3A_104, %parallel_loop3A_105 : vector<16xf32>
      %parallel_loop3A_143 = arith.constant 2.000000e+00 : f32
      %parallel_loop3A_144 = vector.broadcast %parallel_loop3A_143 : f32 to vector<16xf32>
      %parallel_loop3A_145 = arith.mulf %parallel_loop3A_144, %parallel_loop3A_142 : vector<16xf32>
      %parallel_loop3A_146 = arith.addf %parallel_loop3A_99, %parallel_loop3A_100 : vector<16xf32>
      %parallel_loop3A_147 = arith.constant 2.000000e+00 : f32
      %parallel_loop3A_148 = vector.broadcast %parallel_loop3A_147 : f32 to vector<16xf32>
      %parallel_loop3A_149 = arith.mulf %parallel_loop3A_148, %parallel_loop3A_146 : vector<16xf32>
      %parallel_loop3A_150 = arith.constant 1.000000e+00 : f32
      %parallel_loop3A_151 = vector.broadcast %parallel_loop3A_150 : f32 to vector<16xf32>
      %parallel_loop3A_152 = arith.subf %parallel_loop3A_151, %parallel_loop3A_149 : vector<16xf32>
      %parallel_loop3A_153 = arith.addf %parallel_loop3A_78, %parallel_loop3A_68 : vector<16xf32>
      %parallel_loop3A_154 = arith.constant 0 : i32
      %parallel_loop3A_155 = arith.index_cast %parallel_loop3A_154 : i32 to index
      %parallel_loop3A_156 = arith.index_cast %parallel_loop3A_32 : i32 to index
      %parallel_loop3A_157 = tpu.vector_load %arg11[%parallel_loop3A_155, %parallel_loop3A_156] {strides = array<i32>} : memref<6x1024xf32, #tpu.memory_space<vmem>>, vector<16xf32>,
      tpu.vector_store %arg11[%parallel_loop3A_155, %parallel_loop3A_156], %parallel_loop3A_153 {strides = array<i32>} : memref<6x1024xf32, #tpu.memory_space<vmem>>, vector<16xf32>,
      %parallel_loop3A_158 = arith.addf %parallel_loop3A_82, %parallel_loop3A_69 : vector<16xf32>
      %parallel_loop3A_159 = arith.constant 1 : i32
      %parallel_loop3A_160 = arith.index_cast %parallel_loop3A_159 : i32 to index
      %parallel_loop3A_161 = arith.index_cast %parallel_loop3A_32 : i32 to index
      %parallel_loop3A_162 = tpu.vector_load %arg11[%parallel_loop3A_160, %parallel_loop3A_161] {strides = array<i32>} : memref<6x1024xf32, #tpu.memory_space<vmem>>, vector<16xf32>,
      tpu.vector_store %arg11[%parallel_loop3A_160, %parallel_loop3A_161], %parallel_loop3A_158 {strides = array<i32>} : memref<6x1024xf32, #tpu.memory_space<vmem>>, vector<16xf32>,
      %parallel_loop3A_163 = arith.addf %parallel_loop3A_86, %parallel_loop3A_70 : vector<16xf32>
      %parallel_loop3A_164 = arith.constant 2 : i32
      %parallel_loop3A_165 = arith.index_cast %parallel_loop3A_164 : i32 to index
      %parallel_loop3A_166 = arith.index_cast %parallel_loop3A_32 : i32 to index
      %parallel_loop3A_167 = tpu.vector_load %arg11[%parallel_loop3A_165, %parallel_loop3A_166] {strides = array<i32>} : memref<6x1024xf32, #tpu.memory_space<vmem>>, vector<16xf32>,
      tpu.vector_store %arg11[%parallel_loop3A_165, %parallel_loop3A_166], %parallel_loop3A_163 {strides = array<i32>} : memref<6x1024xf32, #tpu.memory_space<vmem>>, vector<16xf32>,
      %parallel_loop3A_168 = arith.mulf %parallel_loop3A_114, %parallel_loop3A_90 : vector<16xf32>
      %parallel_loop3A_169 = arith.mulf %parallel_loop3A_118, %parallel_loop3A_94 : vector<16xf32>
      %parallel_loop3A_170 = arith.addf %parallel_loop3A_168, %parallel_loop3A_169 : vector<16xf32>
      %parallel_loop3A_171 = arith.mulf %parallel_loop3A_122, %parallel_loop3A_98 : vector<16xf32>
      %parallel_loop3A_172 = arith.addf %parallel_loop3A_170, %parallel_loop3A_171 : vector<16xf32>
      %parallel_loop3A_173 = arith.constant 3 : i32
      %parallel_loop3A_174 = arith.index_cast %parallel_loop3A_173 : i32 to index
      %parallel_loop3A_175 = arith.index_cast %parallel_loop3A_32 : i32 to index
      %parallel_loop3A_176 = tpu.vector_load %arg11[%parallel_loop3A_174, %parallel_loop3A_175] {strides = array<i32>} : memref<6x1024xf32, #tpu.memory_space<vmem>>, vector<16xf32>,
      tpu.vector_store %arg11[%parallel_loop3A_174, %parallel_loop3A_175], %parallel_loop3A_172 {strides = array<i32>} : memref<6x1024xf32, #tpu.memory_space<vmem>>, vector<16xf32>,
      %parallel_loop3A_177 = arith.mulf %parallel_loop3A_126, %parallel_loop3A_90 : vector<16xf32>
      %parallel_loop3A_178 = arith.mulf %parallel_loop3A_133, %parallel_loop3A_94 : vector<16xf32>
      %parallel_loop3A_179 = arith.addf %parallel_loop3A_177, %parallel_loop3A_178 : vector<16xf32>
      %parallel_loop3A_180 = arith.mulf %parallel_loop3A_137, %parallel_loop3A_98 : vector<16xf32>
      %parallel_loop3A_181 = arith.addf %parallel_loop3A_179, %parallel_loop3A_180 : vector<16xf32>
      %parallel_loop3A_182 = arith.constant 4 : i32
      %parallel_loop3A_183 = arith.index_cast %parallel_loop3A_182 : i32 to index
      %parallel_loop3A_184 = arith.index_cast %parallel_loop3A_32 : i32 to index
      %parallel_loop3A_185 = tpu.vector_load %arg11[%parallel_loop3A_183, %parallel_loop3A_184] {strides = array<i32>} : memref<6x1024xf32, #tpu.memory_space<vmem>>, vector<16xf32>,
      tpu.vector_store %arg11[%parallel_loop3A_183, %parallel_loop3A_184], %parallel_loop3A_181 {strides = array<i32>} : memref<6x1024xf32, #tpu.memory_space<vmem>>, vector<16xf32>,
      %parallel_loop3A_186 = arith.mulf %parallel_loop3A_141, %parallel_loop3A_90 : vector<16xf32>
      %parallel_loop3A_187 = arith.mulf %parallel_loop3A_145, %parallel_loop3A_94 : vector<16xf32>
      %parallel_loop3A_188 = arith.addf %parallel_loop3A_186, %parallel_loop3A_187 : vector<16xf32>
      %parallel_loop3A_189 = arith.mulf %parallel_loop3A_152, %parallel_loop3A_98 : vector<16xf32>
      %parallel_loop3A_190 = arith.addf %parallel_loop3A_188, %parallel_loop3A_189 : vector<16xf32>
      %parallel_loop3A_191 = arith.constant 5 : i32
      %parallel_loop3A_192 = arith.index_cast %parallel_loop3A_191 : i32 to index
      %parallel_loop3A_193 = arith.index_cast %parallel_loop3A_32 : i32 to index
      %parallel_loop3A_194 = tpu.vector_load %arg11[%parallel_loop3A_192, %parallel_loop3A_193] {strides = array<i32>} : memref<6x1024xf32, #tpu.memory_space<vmem>>, vector<16xf32>,
      tpu.vector_store %arg11[%parallel_loop3A_192, %parallel_loop3A_193], %parallel_loop3A_190 {strides = array<i32>} : memref<6x1024xf32, #tpu.memory_space<vmem>>, vector<16xf32>,
    } {sc.loop_unroll_factor = 1 : i64, sc.parallel_access}
    %dma_start3A_22 = arith.constant 0 : i32
    %dma_start3A_23 = tpu.memref_slice %arg6[%dma_start3A_22, %mul3A_2] : memref<6x16384xf32, #tpu.memory_space<hbm>> -> memref<6x1024xf32, #tpu.memory_space<hbm>>
    %dma_start3A_24 = arith.constant 0 : i32
    %dma_start3A_25 = tpu.memref_slice %arg6[%dma_start3A_24, %mul3A_2] : memref<6x16384xf32, #tpu.memory_space<hbm>> -> memref<6x1024xf32, #tpu.memory_space<hbm>>
    tpu.enqueue_dma source(%arg11 : memref<6x1024xf32, #tpu.memory_space<vmem>>) target(%dma_start3A_25 : memref<6x1024xf32, #tpu.memory_space<hbm>>) target_semaphore(%arg16 : memref<!tpu.dma_semaphore, #tpu.memory_space<semaphore_mem>>)
    %dma_wait3A_26 = arith.constant 0 : i32
    %dma_wait3A_27 = tpu.memref_slice %arg6[%dma_wait3A_26, %mul3A_2] : memref<6x16384xf32, #tpu.memory_space<hbm>> -> memref<6x1024xf32, #tpu.memory_space<hbm>>
    %dma_wait3A_28 = arith.constant 0 : i32
    %dma_wait3A_29 = tpu.memref_slice %arg6[%dma_wait3A_28, %mul3A_2] : memref<6x16384xf32, #tpu.memory_space<hbm>> -> memref<6x1024xf32, #tpu.memory_space<hbm>>
    tpu.wait_dma2 semaphore(%arg16 : memref<!tpu.dma_semaphore, #tpu.memory_space<semaphore_mem>>) src(%arg11 : memref<6x1024xf32, #tpu.memory_space<vmem>>) dst(%dma_wait3A_29 : memref<6x1024xf32, #tpu.memory_space<hbm>>)
    return
  }
}

</mosaic_0001>

<sc_bundles>
// kernel: kernel.3.cloned.1.call-start
scs
__scs_entry_jumppad:
0x0: {  	(pc) =	sbr.rel $0x88, $3  }
0x1: {  	(tag) =	ssettag $0x0;
	lr =	simm.s32 $0x1  }
0x2: {  	[smem:$0x3F9D] =	sst lr;
	_ =	strace $0xD0000000  }
0x3: {  	_ = 	snop  }
0x4: {  	_ = 	snop  }
0x5: {  	_ = 	snop  }
0x6: {  	_ = 	snop  }
0x7: {  	_ = 	snop  }
__scs_overlays_trampoline_lowered:
0x8: {  	[smem:$0x3FAC] =	sst s0  }
0x9: {  	[smem:$0x3FAD] =	sst s1  }
0xa: {  	[smem:$0x3FAE] =	sst s2  }
0xb: {  	[smem:$0x3FAF] =	sst s3  }
0xc: {  	[smem:$0x3FB0] =	sst s4  }
0xd: {  	[smem:$0x3FB1] =	sst s5  }
0xe: {  	[smem:$0x3FB2] =	sst s6  }
0xf: {  	[smem:$0x3FB3] =	sst s7  }
0x10: {  	[smem:$0x3FB4] =	sst s8  }
0x11: {  	[smem:$0x3FB5] =	sst s9;
	s0 =	simm.s32 @!p0 $0x0  }
0x12: {  	s1 =	sld [smem:$0x3F9B];
	s0 =	simm.s32 @p0 $0x1  }
0x13: {  	[smem:$0x3FB6] =	sst s0;
	s0 =	simm.s32 @!p1 $0x0  }
0x14: {  	s2 =	sld [smem:$0x3F9A];
	s0 =	simm.s32 @p1 $0x1  }
0x15: {  	[smem:$0x3FB7] =	sst s0;
	s0 =	simm.s32 @!p2 $0x0  }
0x16: {  	s3 =	sld [smem:$0x3FDB];
	s0 =	simm.s32 @p2 $0x1  }
0x17: {  	s4 =	simm.s32 $0x1BF5;
	[smem:$0x3FB9] =	sst s0  }
0x18: {  	s0 =	sld [smem:$0x3F9C];
	_ =	swait.ge [sflag:s4], $0x0  }
0x19: {  	s7 =	sld [smem:$0x3F9D]  }
0x1a: {  	s8 =	sadd.s32 $0xFFFFE003, lr  }
0x1b: {  	s9 =	sadd.s32 $0xFFFFFEF7, lr;
	s5 =	simm.s32 $0xFFFFFFFF;
	p2 =	slt.u32 s8, $0xFFFFF086  }
0x1c: {  	p1 =	slt.u32 s9, $0xF7A;
	s5 =	simm.s32 @!p2 $0x0  }
0x1d: {  	s5 =	simm.s32 @p1 $0x1;
	p0 =	seq.s32 s7, s2  }
0x1e: {  	s7 =	smul.u32 @!p0 $0xF7A, s2;
	p2 =	seq.s32 @!p0 s5, $0x0  }
0x1f: {  	s9 =	smul.u32 $0xF7A, s1;
	s8 =	simm.s32 @!p0 $0x1BF5;
	p2 =	por !p2, p0  }
0x20: {  	[sflag:s8] =	ssyncset.s32 @!p0 $0xFFFFF086;
	s6 =	sadd.s32 @!p0 s3, s7;
	s7 =	simm.s32 @!p0 $0x108  }
0x21: {  	s3 =	sadd.s32 s3, s9;
	s6 =	sadd.s32 @!p0 $0x88, s6;
	s7 =	simm.s32 @p2 $0x1082  }
0x22: {  	[simem:s7], [sflag:s8] =	dma.local @!p0 [hbm:s6], $0xF7A  }
0x23: {  	s9 =	sor.u32 $0xD0000000, s2;
	s6 =	simm.s32 $0x108;
	_ =	swait.ge @!p0 [sflag:s8], $0x0  }
0x24: {  	s3 =	sadd.s32 $0x88, s3;
	s6 =	simm.s32 @!p1 $0x1082;
	[sflag:s4] =	ssyncset.s32 $0xFFFFF086  }
0x25: {  	[simem:s6], [sflag:s4] =	dma.local [hbm:s3], $0xF7A  }
0x26: {  	[smem:$0x3F9D] =	sst s1;
	(tag) =	ssettag s2;
	_ =	strace s9  }
0x27: {  	s1 =	sld [smem:$0x3FAD]  }
0x28: {  	s2 =	sld [smem:$0x3FAE]  }
0x29: {  	s4 =	sld [smem:$0x3FB0]  }
0x2a: {  	p0 =	seq.s32 s5, $0x0;
	s5 =	sld [smem:$0x3FB1]  }
0x2b: {  	s6 =	sld [smem:$0x3FB2]  }
0x2c: {  	s7 =	sld [smem:$0x3FB3]  }
0x2d: {  	s3 =	simm.s32 $0x108;
	s8 =	sld [smem:$0x3FB4]  }
0x2e: {  	s3 =	simm.s32 @!p0 $0x1082;
	s9 =	sld [smem:$0x3FB5]  }
0x2f: {  	lr =	sadd.s32 s0, s3;
	s0 =	sld [smem:$0x3FAC]  }
0x30: {  	s3 =	sld [smem:$0x3FAF]  }
0x31: {  	[smem:$0x3FB8] =	sst s10  }
0x32: {  	s10 =	sld [smem:$0x3FB6];
	_ =	sdelay $0x3  }
0x33: {  	p0 =	seq.s32 s10, $0x1;
	s10 =	sld [smem:$0x3FB8];
	_ =	sdelay $0x3  }
0x34: {  	[smem:$0x3FB8] =	sst s10  }
0x35: {  	s10 =	sld [smem:$0x3FB7];
	_ =	sdelay $0x3  }
0x36: {  	p1 =	seq.s32 s10, $0x1;
	s10 =	sld [smem:$0x3FB8];
	_ =	sdelay $0x3  }
0x37: {  	[smem:$0x3FB8] =	sst s10  }
0x38: {  	s10 =	sld [smem:$0x3FB9]  }
0x39: {  	_ = 	snop;
	(pc) =	sbr.ind lr, $3  }
0x3a: {  	_ = 	snop  }
0x3b: {  	_ = 	snop  }
0x3c: {  	p2 =	seq.s32 s10, $0x1;
	s10 =	sld [smem:$0x3FB8]  }
0x3d: {  	_ =	shalt  }
0x3e: {  	_ =	shalt  }
0x3f: {  	_ =	shalt  }
0x40: {  	_ =	shalt  }
0x41: {  	_ =	shalt  }
0x42: {  	_ =	shalt  }
0x43: {  	_ =	shalt  }
0x44: {  	_ =	shalt  }
0x45: {  	_ =	shalt  }
0x46: {  	_ =	shalt  }
0x47: {  	_ =	shalt  }
0x48: {  	_ =	shalt  }
0x49: {  	_ =	shalt  }
0x4a: {  	_ =	shalt  }
0x4b: {  	_ =	shalt  }
0x4c: {  	_ =	shalt  }
0x4d: {  	_ =	shalt  }
0x4e: {  	_ =	shalt  }
0x4f: {  	_ =	shalt  }
0x50: {  	_ =	shalt  }
0x51: {  	_ =	shalt  }
0x52: {  	_ =	shalt  }
0x53: {  	_ =	shalt  }
0x54: {  	_ =	shalt  }
0x55: {  	_ =	shalt  }
0x56: {  	_ =	shalt  }
0x57: {  	_ =	shalt  }
0x58: {  	_ =	shalt  }
0x59: {  	_ =	shalt  }
0x5a: {  	_ =	shalt  }
0x5b: {  	_ =	shalt  }
0x5c: {  	_ =	shalt  }
0x5d: {  	_ =	shalt  }
0x5e: {  	_ =	shalt  }
0x5f: {  	_ =	shalt  }
0x60: {  	_ =	shalt  }
0x61: {  	_ =	shalt  }
0x62: {  	_ =	shalt  }
0x63: {  	_ =	shalt  }
0x64: {  	_ =	shalt  }
0x65: {  	_ =	shalt  }
0x66: {  	_ =	shalt  }
0x67: {  	_ =	shalt  }
0x68: {  	_ =	shalt  }
0x69: {  	_ =	shalt  }
0x6a: {  	_ =	shalt  }
0x6b: {  	_ =	shalt  }
0x6c: {  	_ =	shalt  }
0x6d: {  	_ =	shalt  }
0x6e: {  	_ =	shalt  }
0x6f: {  	_ =	shalt  }
0x70: {  	_ =	shalt  }
0x71: {  	_ =	shalt  }
0x72: {  	_ =	shalt  }
0x73: {  	_ =	shalt  }
0x74: {  	_ =	shalt  }
0x75: {  	_ =	shalt  }
0x76: {  	_ =	shalt  }
0x77: {  	_ =	shalt  }
0x78: {  	_ =	shalt  }
0x79: {  	_ =	shalt  }
0x7a: {  	_ =	shalt  }
0x7b: {  	_ =	shalt  }
0x7c: {  	_ =	shalt  }
0x7d: {  	_ =	shalt  }
0x7e: {  	_ =	shalt  }
0x7f: {  	_ =	shalt  }
0x80: {  	_ =	shalt  }
0x81: {  	_ =	shalt  }
0x82: {  	_ =	shalt  }
0x83: {  	_ =	shalt  }
0x84: {  	_ =	shalt  }
0x85: {  	_ =	shalt  }
0x86: {  	_ =	shalt  }
0x87: {  	_ =	shalt  }
.Lfunc_end0:
.L_simem_size_0:
called_computation_lowered:
.L_overlay_start_0:
0x88: {  	s0 =	sld [smem:$0x3FD9]  }
0x89: {  	s1 =	sld [smem:$0x3FFE];
	_ =	sdelay $0x3  }
0x8a: {  	s0 =	sadd.s32 s1, s0  }
0x8b: {  	[smem:$0x3FC4] =	sst s0  }
0x8c: {  	_ = 	snop  }
0x8d: {  	s0 =	sld [smem:$0x3FC7]  }
0x8e: {  	s16 =	sld [smem:$0x3FC6]  }
0x8f: {  	s2 =	sld [smem:$0x3FD0];
	(tm) =	ssettm $0x1  }
0x90: {  	s3 =	sld [smem:$0x3FFB];
	_ =	sdelay $0x3  }
0x91: {  	_ =	strace s3  }
0x92: {  	s3 =	sld [smem:$0x3FFC];
	_ =	sdelay $0x3  }
0x93: {  	_ =	strace s3  }
0x94: {  	s3 =	sld [smem:$0x3FFD];
	_ =	sdelay $0x3  }
0x95: {  	_ =	strace s3  }
0x96: {  	_ =	strace $0x8FFFFFFF  }
0x97: {  	s17 =	sld [smem:$0x3FDB];
	_ =	sdelay $0x1  }
0x98: {  	s4 =	simm.s32 $_scs_section_size  }
0x99: {  	s5 =	simm.s32 $_size__tile_overlayer_lowered;
	s6 =	simm.s32 $_tile_overlayer_lowered  }
0x9a: {  	s20 =	simm.s32 $0x1BFF;
	s19 =	sshll.u32 s6, $0x1;
	s3 =	sadd.s32 s4, s17  }
0x9b: {  	s7 =	simm.s32 $0x0;
	s18 =	sshll.u32 s5, $0x1;
	s5 =	sadd.s32 s19, s3  }
0x9c: {  	[timem:s7], [sflag:s20] =	dma.local [hbm:s5], s18  }
0x9d: {  	_ =	swait.ge [sflag:s20], s18  }
0x9e: {  	s4 =	ssub.s32 $0x0, s18;
	[sflag:s20] =	ssyncset.done $0x0  }
0x9f: {  	[sflag:s20] =	ssyncadd.s32 s4;
	_ =	sdelay $0x1  }
0xa0: {  	s21 =	simm.s32 $0x1B8B  }
0xa1: {  	_ =	swait.ge [sflag:s21], $0x1  }
0xa2: {  	[sflag:s21] =	ssyncset.done $0x0  }
0xa3: {  	s23 =	simm.s32 $0x1B8E;
	s22 =	sld [smem:$0x3FFE];
	[sflag:s21] =	ssyncadd.s32 $0xFFFFFFFF  }
0xa4: {  	s24 =	simm.s32 $execute0_lowered;
	[smem:$0x3FD2] =	sst s23  }
0xa5: {  	s5 =	sshll.u32 s24, $0x1;
	_ =	strace $0x80000046;
	[dreg:$0x1] =	wrdreg $0xFFFFFFFF  }
0xa6: {  	s25 =	simm.s32 $_size_execute0_lowered;
	s3 =	sadd.s32 s3, s5;
	[dreg:$0x0] =	wrdreg $0x0  }
0xa7: {  	s5 =	sshll.u32 s25, $0x1;
	[dreg:$0x2] =	wrdreg s3  }
0xa8: {  	[dreg:$0x3] =	wrdreg s5  }
0xa9: {  	[dreg:$0x4] =	wrdreg $0xC0  }
0xaa: {  	_ =	task [dreg:s7], $0x5FFFF  }
0xab: {  	[dreg:$0x1] =	wrdreg $0xFFFFFFFF  }
0xac: {  	[dreg:$0x0] =	wrdreg $0x60  }
0xad: {  	[dreg:$0x2] =	wrdreg s22  }
0xae: {  	[dreg:$0x3] =	wrdreg s2  }
0xaf: {  	[dreg:$0x4] =	wrdreg s0  }
0xb0: {  	[dreg:$0x5] =	wrdreg s16  }
0xb1: {  	[dreg:$0x6] =	wrdreg $0x9  }
0xb2: {  	_ =	task.clear_ibuf [dreg:s7], $0x7FFFF;
	_ =	strace $0x90000046  }
0xb3: {  	s26 =	simm.s32 $0x9;
	_ =	strace $0x80000048  }
0xb4: {  	_ =	swait.ge [sflag:s26], $0x1  }
0xb5: {  	[sflag:s26] =	ssyncadd.s32 $0xFFFFFFFF  }
0xb6: {  	_ =	strace $0x90000048  }
0xb7: {  	_ =	sfence  }
0xb8: {  	s28 =	sld [smem:$0x0];
	_ =	sdelay $0x1  }
0xb9: {  	s29 =	srdreg.scid  }
0xba: {  	s30 =	sshll.u32 s29, $0xD;
	s31 =	sshrl.u32 s29, $0x2  }
0xbb: {  	s1 =	sand.u32 $0x1, s29;
	s2 =	sand.u32 $0x4000, s30;
	s0 =	sadd.s32 s31, s28  }
0xbc: {  	s1 =	sor.u32 s2, s1;
	s0 =	sshll.u32 s0, $0x11  }
0xbd: {  	s0 =	sor.u32 s0, s1  }
0xbe: {  	s0 =	sadd.s32 $0x8F2B, s0  }
0xbf: {  	[sflag:s0] =	ssyncadd.remote.s32 $0x1  }
0xc0: {  	_ =	sfence.sel $0xFFFF  }
0xc1: {  	[dreg:$0x0] =	wrdreg $0xFFFFFFFF;
	(pc) =	sbr.abs _section_cstart, $3  }
0xc2: {  	[dreg:$0x1] =	wrdreg $0xFFFFFFFF  }
0xc3: {  	_ =	task.clear_ibuf [dreg:s7], $0x2FFFF;
	_ =	strace $0x9FFFFFFF  }
0xc4: {  	(tm) =	ssettm $0x7FFFFFFF  }
0xc5: {  	_ =	shalt  }
tec
execute0_lowered:
.L_overlay_start_1:
0x0: {  	(tag) =	ssettag $0x1  }
0x1: {  	s7 =	rddreg [dreg:$0x0]  }
0x2: {  	s3 =	rddreg [dreg:$0x1]  }
0x3: {  	s4 =	rddreg [dreg:$0x2]  }
0x4: {  	s6 =	rddreg [dreg:$0x3]  }
0x5: {  	s0 =	rddreg [dreg:$0x4];
	s5 =	simm.s32 $0x0  }
0x6: {  	s1 =	stileid.u32;
	[smem:$0x7FF] =	sst s5  }
0x7: {  	s8 =	sadd.s32 $0x400, s7;
	s2 =	sshll.u32 s1, $0x7;
	_ =	strace $0x80000047  }
0x8: {  	[tilespmem:s5], [sflag:$0x1] =	stream.linear.gather [hbm4b:s8+s5], $0x1B58, $0x38;
	[tilespmem:$0x5358] =	vst v63  }
0x9: {  	s21 =	simm.s32 $0x3358;
	s23 =	simm.s32 $0x3758;
	s4 =	sadd.s32 s4, s2  }
0xa: {  	[tilespmem:s21], [sflag:$0x2] =	stream.linear.gather [hbm4b:s4+s5], $0x400, $0x38;
	[tilespmem:$0x5358] =	vst v63  }
0xb: {  	s24 =	simm.s32 $0x400;
	s25 =	simm.s32 $0x4000;
	s22 =	sadd.s32 s6, s2  }
0xc: {  	[tilespmem:s23], [sflag:$0x3] =	stream.linear.gather [hbm4b:s22+s5], $0x400, $0x38;
	[tilespmem:$0x5358] =	vst v63  }
0xd: {  	s26 =	simm.s32 $0x1B58;
	s28 =	simm.s32 $0x1;
	s3 =	sadd.s32 s3, s2  }
0xe: {  	[tilespmem:s26], [sflag:$0x4] =	stream.strided.gather [hbm4b:s3+s24], $0x1800, s25, s24, $0x38;
	[tilespmem:$0x5358] =	vst v63  }
0xf: {  	_ =	swait.ge [sflag:s28], $0x1B58  }
0x10: {  	[sflag:s28] =	ssyncset.done $0x0  }
0x11: {  	s29 =	simm.s32 $0x2;
	[sflag:s28] =	ssyncadd.s32 $0xFFFFE4A8  }
0x12: {  	_ =	swait.ge [sflag:s29], $0x400  }
0x13: {  	[sflag:s29] =	ssyncset.done $0x0  }
0x14: {  	s30 =	simm.s32 $0x3;
	[sflag:s29] =	ssyncadd.s32 $0xFFFFFC00  }
0x15: {  	_ =	swait.ge [sflag:s30], $0x400  }
0x16: {  	[sflag:s30] =	ssyncset.done $0x0  }
0x17: {  	s31 =	simm.s32 $0x4;
	[sflag:s30] =	ssyncadd.s32 $0xFFFFFC00  }
0x18: {  	_ =	swait.ge [sflag:s31], $0x1800  }
0x19: {  	[sflag:s31] =	ssyncset.done $0x0  }
0x1a: {  	s4 =	simm.s32 $0x0;
	[sflag:s31] =	ssyncadd.s32 $0xFFFFE800  }
0x1b: {  	v0 =	vld [tilespmem:s4+$0x3358];
	_ =	sdelay $0x4  }
0x1c: {  	v3 =	vld [tilespmem:s4+$0x3758];
	v1 =	vadd.s32 $0xBB8, v0  }
0x1d: {  	s3 =	simm.s32 $0x10;
	v8 =	vld [tilespmem:s4+$0x1B58];
	v2 =	vadd.s32 $0x3E8, v0  }
0x1e: {  	v9 =	vld [tilespmem:s3+$0x3358];
	v4 =	vadd.s32 $0xFA0, v0  }
0x1f: {  	v10 =	vld [tilespmem:s4+$0x1F58];
	v7 =	vadd.s32 $0x7D0, v0  }
0x20: {  	v6 =	vadd.s32 $0x1770, v0;
	v5 =	vld.idx.msk [tilespmem:v0+s5+$0x0], $0xffff  }
0x21: {  	v0 =	vadd.s32 $0x1388, v0;
	v1 =	vld.idx.msk [tilespmem:v1+s5+$0x0], $0xffff  }
0x22: {  	v2 =	vld.idx.msk [tilespmem:v2+s5+$0x0], $0xffff  }
0x23: {  	v4 =	vld.idx.msk [tilespmem:v4+s5+$0x0], $0xffff  }
0x24: {  	vm0 =	veq.s32 v3, $0x1;
	v11 =	vadd.s32 $0xFA0, v9;
	v3 =	vld.idx.msk [tilespmem:v7+s5+$0x0], $0xffff  }
0x25: {  	v6 =	vld.idx.msk [tilespmem:v6+s5+$0x0], $0xffff  }
0x26: {  	v16 =	vadd.s32 $0x7D0, v9;
	v0 =	vld.idx.msk [tilespmem:v0+s5+$0x0], $0xffff  }
0x27: {  	v13 =	vld [tilespmem:s3+$0x3758];
	v18 =	vadd.s32 $0x1388, v9;
	v7 =	vadd.s32 $0xBB8, v9;
	v5 =	vnsel vm0, $0x0, v5  }
0x28: {  	v5 =	vadd.f32 v8, v5;
	v8 =	vld [tilespmem:s4+$0x2358];
	v2 =	vnsel vm0, $0x0, v2;
	v1 =	vnsel vm0, $0x0, v1  }
0x29: {  	v11 =	vld.idx.msk [tilespmem:v11+s5+$0x0], $0xffff;
	v4 =	vnsel vm0, $0x0, v4;
	v3 =	vnsel vm0, $0x0, v3;
	v2 =	vadd.f32 v10, v2  }
0x2a: {  	[tilespmem:s4+$0x3B58] =	vst v5;
	v5 =	vadd.s32 $0x1770, v9;
	v10 =	vmul.f32 v1, v1;
	v12 =	vmul.f32 v4, v4  }
0x2b: {  	v14 =	vld [tilespmem:s4+$0x2F58];
	[tilespmem:s4+$0x3F58] =	vst v2;
	v2 =	vnsel vm0, $0x3F800000, v6;
	v6 =	vadd.s32 $0x3E8, v9;
	v0 =	vnsel vm0, $0x0, v0  }
0x2c: {  	v7 =	vld.idx.msk [tilespmem:v7+s5+$0x0], $0xffff;
	v15 =	vadd.f32 v12, v10;
	vm0 =	veq.s32 v13, $0x1;
	v17 =	vmul.f32 v2, v4  }
0x2d: {  	v25 =	vld [tilespmem:s4+$0x2B58];
	v19 =	vmul.f32 v0, v1;
	v20 =	vmul.f32 v2, v1;
	v3 =	vadd.f32 v8, v3  }
0x2e: {  	v9 =	vld.idx.msk [tilespmem:v9+s5+$0x0], $0xffff;
	v2 =	vmul.f32 v2, v0;
	v11 =	vnsel vm0, $0x0, v11;
	v8 =	vadd.f32 v15, v15  }
0x2f: {  	v13 =	vld.idx.msk [tilespmem:v16+s5+$0x0], $0xffff;
	v15 =	vmul.f32 v4, v1;
	v1 =	vmul.f32 v0, v0;
	v21 =	vadd.f32 v17, v19  }
0x30: {  	v0 =	vmul.f32 v0, v4;
	v4 =	vld [tilespmem:s3+$0x1B58];
	v17 =	vsub.f32 v19, v17;
	v8 =	vsub.f32 $1.000000000e+00, v8  }
0x31: {  	v7 =	vnsel vm0, $0x0, v7;
	v5 =	vld.idx.msk [tilespmem:v5+s5+$0x0], $0xffff;
	[tilespmem:s4+$0x4358] =	vst v3;
	v10 =	vadd.f32 v1, v10;
	v3 =	vadd.f32 v1, v12  }
0x32: {  	v19 =	vadd.f32 v21, v21;
	v16 =	vmul.f32 v14, v8;
	v8 =	vld.idx.msk [tilespmem:v18+s5+$0x0], $0xffff;
	v18 =	vsub.f32 v0, v20  }
0x33: {  	v31 =	vmul.f32 v11, v11;
	v12 =	vld [tilespmem:s4+$0x2758];
	v0 =	vadd.f32 v20, v0;
	v20 =	vsub.f32 v15, v2  }
0x34: {  	v6 =	vld.idx.msk [tilespmem:v6+s5+$0x0], $0xffff;
	v9 =	vnsel vm0, $0x0, v9;
	v2 =	vadd.f32 v2, v15;
	v10 =	vadd.f32 v10, v10  }
0x35: {  	s6 =	simm.s32 $0x20;
	v22 =	vld [tilespmem:s3+$0x1F58];
	v13 =	vnsel vm0, $0x0, v13;
	v3 =	vadd.f32 v3, v3;
	v4 =	vadd.f32 v4, v9  }
0x36: {  	v21 =	vmul.f32 v14, v19;
	v19 =	vld [tilespmem:s6+$0x3358];
	v9 =	vadd.f32 v17, v17;
	v0 =	vadd.f32 v0, v0  }
0x37: {  	v15 =	vld [tilespmem:s3+$0x2358];
	v5 =	vnsel vm0, $0x3F800000, v5;
	v20 =	vadd.f32 v20, v20;
	v27 =	vadd.f32 v2, v2  }
0x38: {  	v3 =	vsub.f32 $1.000000000e+00, v3;
	v1 =	vmul.f32 v5, v7;
	v23 =	vmul.f32 v5, v11  }
0x39: {  	v30 =	vmul.f32 v12, v9;
	v6 =	vnsel vm0, $0x0, v6;
	v0 =	vmul.f32 v25, v0  }
0x3a: {  	v27 =	vmul.f32 v12, v27;
	v3 =	vmul.f32 v12, v3;
	v24 =	vnsel vm0, $0x0, v8  }
0x3b: {  	v8 =	vsub.f32 $1.000000000e+00, v10;
	v10 =	vmul.f32 v7, v7;
	v17 =	vadd.s32 $0xBB8, v19  }
0x3c: {  	v2 =	vadd.f32 v22, v6;
	v61 =	vadd.f32 v15, v13;
	v26 =	vadd.s32 $0xFA0, v19  }
0x3d: {  	v32 =	vld [tilespmem:s6+$0x3758];
	[tilespmem:s3+$0x3B58] =	vst v4;
	v6 =	vmul.f32 v11, v7;
	v28 =	vadd.s32 $0x1388, v19;
	v29 =	vadd.s32 $0x1770, v19  }
0x3e: {  	v4 =	vmul.f32 v24, v7;
	v33 =	vadd.s32 $0x7D0, v19;
	v9 =	vmul.f32 v5, v24;
	[tilespmem:s3+$0x3F58] =	vst v2;
	v2 =	vld [tilespmem:s3+$0x2F58]  }
0x3f: {  	v5 =	vadd.f32 v18, v18;
	v18 =	vadd.s32 $0x3E8, v19;
	v7 =	vadd.f32 v31, v10;
	v13 =	vld.idx.msk [tilespmem:v19+s5+$0x0], $0xffff  }
0x40: {  	v0 =	vadd.f32 v0, v30;
	v15 =	vmul.f32 v25, v8;
	v8 =	vsub.f32 v4, v23;
	v17 =	vld.idx.msk [tilespmem:v17+s5+$0x0], $0xffff  }
0x41: {  	v62 =	vmul.f32 v24, v24;
	v4 =	vadd.f32 v23, v4;
	v7 =	vadd.f32 v7, v7;
	v26 =	vld.idx.msk [tilespmem:v26+s5+$0x0], $0xffff  }
0x42: {  	v30 =	vadd.f32 v16, v0;
	v19 =	vmul.f32 v25, v20;
	v20 =	vadd.f32 v15, v27;
	v29 =	vld.idx.msk [tilespmem:v29+s5+$0x0], $0xffff  }
0x43: {  	vm0 =	veq.s32 v32, $0x1;
	v12 =	vadd.f32 v4, v4;
	v0 =	vsub.f32 $1.000000000e+00, v7  }
0x44: {  	v7 =	vmul.f32 v14, v5;
	v15 =	vld.idx.msk [tilespmem:v18+s5+$0x0], $0xffff;
	v14 =	vadd.f32 v62, v10;
	v63 =	vadd.f32 v19, v3  }
0x45: {  	v16 =	vld.idx.msk [tilespmem:v33+s5+$0x0], $0xffff;
	v4 =	vmul.f32 v2, v0;
	v0 =	vmul.f32 v2, v12;
	v12 =	vadd.f32 v62, v31  }
0x46: {  	[tilespmem:s3+$0x4358] =	vst v61;
	v19 =	vmul.f32 v24, v11;
	v18 =	vld [tilespmem:s6+$0x1B58];
	v10 =	vadd.f32 v7, v20;
	v11 =	vadd.f32 v21, v63  }
0x47: {  	s7 =	sadd.s32 $0x800, s7;
	s8 =	simm.s32 $0xC0;
	[tilespmem:s4+$0x4F58] =	vst v30;
	v5 =	vnsel vm0, $0x0, v17;
	v17 =	vld.idx.msk [tilespmem:v28+s5+$0x0], $0xffff;
	v3 =	vnsel vm0, $0x0, v26;
	v7 =	vnsel vm0, $0x3F800000, v29  }
.LBB2_1:
0x48: {  	s9 =	sshra.s32 s8, $0x2;
	p0 =	sne.s32 s8, $0xFC0;
	s8 =	sadd.s32 $0x40, s8;
	v20 =	vld [tilespmem:s3+$0x2758];
	v21 =	vsub.f32 v19, v1;
	v19 =	vadd.f32 v1, v19;
	[tilespmem:s4+$0x4B58] =	vst v10  }
0x49: {  	v1 =	vmul.f32 v7, v5;
	v22 =	vsub.f32 v6, v9;
	v6 =	vadd.f32 v9, v6;
	v10 =	vld [tilespmem:s9+$0x3358];
	[tilespmem:s4+$0x4758] =	vst v11;
	s4 =	smov.u32 s3;
	s3 =	smov.u32 s6;
	s6 =	smov.u32 s9  }
0x4a: {  	v9 =	vnsel vm0, $0x0, v13;
	v14 =	vadd.f32 v14, v14;
	v11 =	vnsel vm0, $0x0, v15;
	v13 =	vld [tilespmem:s3+$0x2358]  }
0x4b: {  	v23 =	vmul.f32 v7, v3;
	v15 =	vnsel vm0, $0x0, v16;
	v19 =	vadd.f32 v19, v19;
	v16 =	vld [tilespmem:s3+$0x1F58]  }
0x4c: {  	v14 =	vsub.f32 $1.000000000e+00, v14;
	v24 =	vnsel vm0, $0x0, v17;
	v9 =	vadd.f32 v18, v9;
	v17 =	vld [tilespmem:s4+$0x2B58]  }
0x4d: {  	v8 =	vadd.f32 v8, v8;
	v22 =	vadd.f32 v22, v22;
	v18 =	vmul.f32 v5, v5  }
0x4e: {  	v27 =	vadd.f32 v6, v6;
	v25 =	vadd.s32 $0xBB8, v10;
	v26 =	vadd.s32 $0xFA0, v10;
	[tilespmem:s3+$0x3B58] =	vst v9  }
0x4f: {  	v8 =	vmul.f32 v20, v8;
	v28 =	vadd.s32 $0x1388, v10;
	v29 =	vadd.s32 $0x1770, v10  }
0x50: {  	v30 =	vmul.f32 v3, v3;
	v9 =	vadd.f32 v16, v11;
	v11 =	vadd.f32 v13, v15  }
0x51: {  	v12 =	vadd.f32 v12, v12;
	v6 =	vmul.f32 v3, v5;
	v13 =	vmul.f32 v17, v19  }
0x52: {  	v5 =	vmul.f32 v24, v5;
	v16 =	vadd.f32 v30, v18;
	v14 =	vmul.f32 v17, v14;
	v15 =	vld [tilespmem:s6+$0x3758];
	[tilespmem:s3+$0x3F58] =	vst v9  }
0x53: {  	v19 =	vadd.s32 $0x7D0, v10;
	v9 =	vmul.f32 v7, v24;
	v7 =	vadd.f32 v21, v21;
	v31 =	vld [tilespmem:s3+$0x2F58];
	[tilespmem:s3+$0x4358] =	vst v11  }
0x54: {  	v12 =	vsub.f32 $1.000000000e+00, v12;
	v11 =	vadd.s32 $0x3E8, v10;
	v13 =	vadd.f32 v13, v8;
	v21 =	vld.idx.msk [tilespmem:v25+s5+$0x0], $0xffff  }
0x55: {  	v16 =	vadd.f32 v16, v16;
	v8 =	vsub.f32 v5, v23;
	v25 =	vld.idx.msk [tilespmem:v26+s5+$0x0], $0xffff;
	v26 =	vmul.f32 v20, v27  }
0x56: {  	v5 =	vadd.f32 v23, v5;
	v23 =	vadd.f32 v4, v13;
	v27 =	vld.idx.msk [tilespmem:v29+s5+$0x0], $0xffff;
	v29 =	vmul.f32 v24, v24  }
0x57: {  	v12 =	vmul.f32 v20, v12;
	v7 =	vmul.f32 v2, v7;
	v4 =	vsub.f32 $1.000000000e+00, v16  }
.Ltmp0:
0x58: {  	v32 =	vadd.f32 v5, v5;
	v20 =	vadd.f32 v14, v26;
	v13 =	vld.idx.msk [tilespmem:v10+s5+$0x0], $0xffff;
	v10 =	vmul.f32 v17, v22;
	(pc) =	sbr.rel @p0 .LBB2_1-.Ltmp0, $4  }
0x59: {  	vm0 =	veq.s32 v15, $0x1;
	v14 =	vadd.f32 v29, v18;
	v4 =	vmul.f32 v31, v4;
	v15 =	vld.idx.msk [tilespmem:v11+s5+$0x0], $0xffff;
	[tilespmem:s4+$0x4F58] =	vst v23  }
0x5a: {  	v2 =	vmovc v31;
	v5 =	vnsel vm0, $0x0, v21;
	v21 =	vmul.f32 v31, v32;
	v16 =	vld.idx.msk [tilespmem:v19+s5+$0x0], $0xffff;
	v11 =	vadd.f32 v10, v12  }
0x5b: {  	v19 =	vmul.f32 v24, v3;
	v12 =	vadd.f32 v29, v30;
	v10 =	vadd.f32 v7, v20;
	v17 =	vld.idx.msk [tilespmem:v28+s5+$0x0], $0xffff  }
0x5c: {  	v3 =	vnsel vm0, $0x0, v25;
	v7 =	vnsel vm0, $0x3F800000, v27;
	v18 =	vld [tilespmem:s6+$0x1B58];
	v11 =	vadd.f32 v0, v11;
	v0 =	vmovc v21  }
0x5d: {  	v21 =	vsub.f32 v19, v1;
	v27 =	vadd.f32 v1, v19  }
0x5e: {  	v22 =	vsub.f32 v6, v9;
	v29 =	vadd.f32 v9, v6  }
0x5f: {  	v30 =	vnsel vm0, $0x0, v13;
	v14 =	vadd.f32 v14, v14;
	v24 =	vmul.f32 v7, v3  }
0x60: {  	v20 =	vld [tilespmem:s3+$0x2758];
	v8 =	vadd.f32 v8, v8;
	v32 =	vmul.f32 v5, v5;
	v34 =	vmul.f32 v3, v3  }
0x61: {  	v28 =	vld [tilespmem:s6+$0x1F58];
	v12 =	vadd.f32 v12, v12;
	v37 =	vmul.f32 v7, v5;
	v45 =	vmul.f32 v3, v5  }
0x62: {  	v31 =	vld [tilespmem:s3+$0x2B58];
	v15 =	vnsel vm0, $0x0, v15;
	v1 =	vadd.f32 v27, v27;
	v14 =	vsub.f32 $1.000000000e+00, v14  }
0x63: {  	v23 =	vld [tilespmem:s6+$0x2358];
	v16 =	vnsel vm0, $0x0, v16;
	v22 =	vadd.f32 v22, v22;
	v36 =	vadd.f32 v34, v32  }
0x64: {  	v6 =	vadd.f32 v29, v29;
	v12 =	vsub.f32 $1.000000000e+00, v12;
	v17 =	vnsel vm0, $0x0, v17  }
0x65: {  	v21 =	vadd.f32 v21, v21;
	v33 =	vmul.f32 v17, v5;
	v39 =	vmul.f32 v17, v17  }
0x66: {  	v9 =	vadd.f32 v18, v30;
	v44 =	vmul.f32 v17, v3;
	v48 =	vmul.f32 v7, v17  }
0x67: {  	v8 =	vmul.f32 v20, v8;
	v15 =	vadd.f32 v28, v15;
	v1 =	vmul.f32 v31, v1  }
0x68: {  	v16 =	vadd.f32 v23, v16;
	v14 =	vmul.f32 v31, v14;
	v35 =	vsub.f32 v33, v24  }
0x69: {  	v6 =	vmul.f32 v20, v6;
	v19 =	vadd.f32 v24, v33;
	v24 =	vadd.f32 v36, v36  }
0x6a: {  	v38 =	vmul.f32 v20, v12;
	v43 =	vadd.f32 v39, v32;
	v47 =	vadd.f32 v39, v34  }
0x6b: {  	v13 =	vmul.f32 v31, v22;
	v50 =	vsub.f32 v44, v37;
	v53 =	vsub.f32 v45, v48  }
0x6c: {  	v3 =	vadd.f32 v48, v45;
	v1 =	vadd.f32 v1, v8  }
0x6d: {  	v6 =	vadd.f32 v14, v6;
	v46 =	vadd.f32 v13, v38  }
0x6e: {  	v49 =	vld [tilespmem:s6+$0x2758];
	v40 =	vsub.f32 $1.000000000e+00, v24;
	v41 =	vadd.f32 v19, v19  }
0x6f: {  	v52 =	vld [tilespmem:s6+$0x2B58];
	[tilespmem:s6+$0x3B58] =	vst v9;
	v51 =	vadd.f32 v43, v43;
	v8 =	vadd.f32 v35, v35  }
0x70: {  	[tilespmem:s6+$0x4358] =	vst v16;
	v9 =	vadd.f32 v47, v47;
	v16 =	vadd.f32 v53, v53  }
0x71: {  	v42 =	vld [tilespmem:s6+$0x2F58];
	v3 =	vadd.f32 v3, v3;
	v1 =	vadd.f32 v4, v1  }
0x72: {  	v2 =	vmul.f32 v2, v21;
	v4 =	vadd.f32 v37, v44;
	v54 =	vsub.f32 $1.000000000e+00, v51  }
0x73: {  	v56 =	vadd.f32 v50, v50;
	v8 =	vmul.f32 v49, v8;
	v9 =	vsub.f32 $1.000000000e+00, v9  }
0x74: {  	[tilespmem:s4+$0x4B58] =	vst v10;
	v3 =	vmul.f32 v49, v3;
	v4 =	vadd.f32 v4, v4;
	v7 =	vmul.f32 v52, v54  }
0x75: {  	[tilespmem:s4+$0x4758] =	vst v11;
	v2 =	vadd.f32 v2, v6;
	v57 =	vmul.f32 v52, v16;
	v6 =	vmul.f32 v49, v9  }
0x76: {  	[tilespmem:s6+$0x3F58] =	vst v15;
	v58 =	vmul.f32 v42, v56;
	v4 =	vmul.f32 v52, v4;
	v3 =	vadd.f32 v7, v3  }
0x77: {  	v0 =	vadd.f32 v0, v46;
	v59 =	vmul.f32 v42, v41;
	[tilespmem:s3+$0x4F58] =	vst v1;
	v61 =	vadd.f32 v57, v6  }
0x78: {  	v55 =	vmul.f32 v42, v40;
	[tilespmem:s3+$0x4B58] =	vst v2;
	v4 =	vadd.f32 v4, v8;
	v62 =	vadd.f32 v58, v3  }
0x79: {  	[tilespmem:s3+$0x4758] =	vst v0;
	v63 =	vadd.f32 v59, v61  }
0x7a: {  	v60 =	vadd.f32 v55, v4;
	[tilespmem:s6+$0x4B58] =	vst v62  }
0x7b: {  	s2 =	sadd.s32 s7, s2;
	s29 =	simm.s32 $0x400;
	[tilespmem:s6+$0x4758] =	vst v63  }
0x7c: {  	s30 =	simm.s32 $0x4000;
	s5 =	simm.s32 $0x3B58;
	s31 =	simm.s32 $0x5;
	[tilespmem:s6+$0x4F58] =	vst v60  }
0x7d: {  	[hbm4b:s2+s29] =	stream.strided.scatter [tilespmem:s5], [sflag:$0x5], $0x1800, s30, s29, $0x38;
	[tilespmem:$0x5358] =	vst v63  }
0x7e: {  	_ =	swait.ge [sflag:s31], $0x1800  }
0x7f: {  	[sflag:s31] =	ssyncset.done $0x0  }
0x80: {  	[sflag:s31] =	ssyncadd.s32 $0xFFFFE800  }
0x81: {  	_ =	sfence.sel $0x180000  }
0x82: {  	[bflag:$0x0] =	sbarrier.arrive $0xFFFF  }
0x83: {  	p0 =	sne.s32 s1, $0x0;
	_ =	strace $0x90000047  }
0x84: {  	s0 =	sadd.s32 @!p0 $0x100000, s0;
	[bflag:$0x2] =	sbarrier.arrive $0xFFFF  }
0x85: {  	[sflag:s0] =	ssyncadd.tile.s32 @!p0 $0x1;
	_ =	shalt  }
.Lfunc_end2:
_tile_overlayer_lowered:
.L_overlay_start_2:
0x86: {  	(tag) =	ssettag $0x2  }
0x87: {  	s0 =	rddreg [dreg:$0x0];
	s2 =	stileid.u32  }
0x88: {  	s1 =	rddreg [dreg:$0x1];
	p0 =	sne.s32 s2, $0x0  }
0x89: {  	s3 =	rddreg [dreg:$0x2];
	[bflag:$0x3] =	sbarrier.arrive $0xFFFF;
	s2 =	simm.s32 @!p0 $0x1C06  }
0x8a: {  	[timem:s3], [sflag:s2] =	dma.local @!p0 [hbm:s0], s1  }
0x8b: {  	s0 =	simm.s32 @!p0 $0x6  }
0x8c: {  	_ =	swait.ge @!p0 [sflag:s0], s1  }
0x8d: {  	s1 =	ssub.s32 @!p0 $0x0, s1;
	[sflag:s0] =	ssyncset.done @!p0 $0x0  }
0x8e: {  	[sflag:s0] =	ssyncadd.s32 @!p0 s1  }
0x8f: {  	[bflag:$0x3] =	sbarrier.arrive $0xFFFF  }
0x90: {  	_ =	shalt  }

</sc_bundles>
